<compile_context>
chip_gen: v7x
topology: tpu7x:2x2x1
jax: 0.10.2.dev20260603
libtpu: 0.0.44.dev20260713+nightly
codegen_flags: <defaults>
</compile_context>

<pallas_src>
import functools

import jax
import jax.numpy as jnp
from jax import lax
from jax.experimental import pallas as pl
from jax.experimental.pallas import tpu as pltpu
from jax.experimental.pallas import tpu_sc as plsc

_NC = 2
_NS = 16
_L = 16
_CHUNK = 128
_OH = 16


@functools.lru_cache(maxsize=None)
def _make_gather(V, D, B):
    NW = _NC * _NS
    b_per_w = B // NW
    n_chunks = b_per_w // _CHUNK
    assert b_per_w * NW == B and n_chunks * _CHUNK == b_per_w
    W = 2 * D
    mesh = plsc.VectorSubcoreMesh(core_axis_name="c", subcore_axis_name="s")

    @functools.partial(
        pl.kernel,
        mesh=mesh,
        compiler_params=pltpu.CompilerParams(use_tc_tiling_on_sc=False,
                                             needs_layout_passes=False),
        out_type=[
            jax.ShapeDtypeStruct((B, W), jnp.float32),
            jax.ShapeDtypeStruct((B, W), jnp.float32),
        ],
        scratch_types=[
            pltpu.VMEM((b_per_w,), jnp.int32),
            pltpu.VMEM((b_per_w,), jnp.int32),
            pltpu.VMEM((b_per_w,), jnp.int32),
            pltpu.VMEM((b_per_w, D), jnp.float32),
            pltpu.VMEM((b_per_w, D), jnp.float32),
            pltpu.VMEM((b_per_w, _OH), jnp.float32),
            pltpu.SemaphoreType.DMA,
        ],
    )
    def gather(table_hbm, nidx_hbm, midx_hbm, ridx_hbm, out_n, out_m,
               idx_n, idx_m, rel_v, rows_n, rows_m, oh, sem):
        wid = lax.axis_index("s") * _NC + lax.axis_index("c")
        base = wid * b_per_w
        pltpu.sync_copy(nidx_hbm.at[pl.ds(base, b_per_w)], idx_n)
        pltpu.sync_copy(midx_hbm.at[pl.ds(base, b_per_w)], idx_m)
        pltpu.sync_copy(ridx_hbm.at[pl.ds(base, b_per_w)], rel_v)
        copies = []
        for j in range(n_chunks):
            sl = pl.ds(j * _CHUNK, _CHUNK)
            copies.append(pltpu.async_copy(
                table_hbm.at[idx_n.at[sl]], rows_n.at[sl], sem))
            copies.append(pltpu.async_copy(
                table_hbm.at[idx_m.at[sl]], rows_m.at[sl], sem))

        zeros = jnp.zeros((_L,), jnp.float32)

        def zbody(i, _):
            oh[i, :] = zeros
            return ()

        lax.fori_loop(0, b_per_w, zbody, ())
        ones = jnp.full((_L,), 1.0, jnp.float32)
        iota = lax.iota(jnp.int32, _L)

        def sbody(i, _):
            rows = iota + i * _L
            cols = rel_v[pl.ds(i * _L, _L)]
            plsc.store_scatter(oh, [rows, cols], ones)
            return ()

        lax.fori_loop(0, b_per_w // _L, sbody, ())

        for c in copies:
            c.wait()
        rows = pl.ds(base, b_per_w)
        pltpu.sync_copy(rows_n, out_n.at[rows, pl.ds(0, D)])
        pltpu.sync_copy(oh, out_n.at[rows, pl.ds(D, _OH)])
        pltpu.sync_copy(rows_m, out_m.at[rows, pl.ds(0, D)])

    return gather


def _dot(a, b):
    return lax.dot_general(a, b, (((1,), (0,)), ((), ())),
                           preferred_element_type=jnp.float32)


def _score_body(nrel, node_ref, nbr_ref, rv_ref, out_ref):
    D = rv_ref.shape[1]
    RD = nrel * D
    nw = node_ref[...]
    node = nw[:, :D]
    oh = nw[:, D:D + nrel]
    nbr = nbr_ref[:, :D]
    rv = rv_ref[...]
    rh = jnp.concatenate([rv[r * D:(r + 1) * D, :] for r in range(nrel)],
                         axis=1)
    t8 = _dot(node, rh)
    li = lax.broadcasted_iota(jnp.int32, (D, RD), 1)
    ri = lax.broadcasted_iota(jnp.int32, (D, RD), 0)
    ti = (li % D == ri).astype(jnp.float32)
    nbr8 = _dot(nbr, ti)
    p8 = t8 * nbr8
    rr = lax.broadcasted_iota(jnp.int32, (RD, nrel), 0)
    cc = lax.broadcasted_iota(jnp.int32, (RD, nrel), 1)
    s8 = (rr // D == cc).astype(jnp.float32)
    q = _dot(p8, s8)
    ones = jnp.ones((nrel, 1), jnp.float32)
    score = _dot(q * oh, ones)
    out_ref[...] = jax.nn.sigmoid(score)


@functools.lru_cache(maxsize=None)
def _make_score(B, D, R, Bb=4096, interpret=False):
    grid = (B // Bb,)
    return pl.pallas_call(
        functools.partial(_score_body, R),
        grid=grid,
        in_specs=[
            pl.BlockSpec((Bb, 2 * D), lambda i: (i, 0)),
            pl.BlockSpec((Bb, 2 * D), lambda i: (i, 0)),
            pl.BlockSpec((R * D, D), lambda i: (0, 0)),
        ],
        out_specs=pl.BlockSpec((Bb, 1), lambda i: (i, 0)),
        out_shape=jax.ShapeDtypeStruct((B, 1), jnp.float32),
        interpret=interpret,
    )


def kernel(node_idx, relation_idx, node_neighbor_idx, node_embed_table,
           relation_embed_table):
    B = node_idx.shape[0]
    V, D = node_embed_table.shape
    R = relation_embed_table.shape[0]
    node_rows, nbr_rows = _make_gather(V, D, B)(
        node_embed_table, node_idx.astype(jnp.int32),
        node_neighbor_idx.astype(jnp.int32), relation_idx.astype(jnp.int32))
    rv = relation_embed_table.reshape(R * D, D)
    return _make_score(B, D, R)(node_rows, nbr_rows, rv)

# --- scband reference (transcript-rebuilt; emitter-appended) ---
"""Pipeline reference for scband-discriminator-8744553415337 (READ-ONLY COPY).

The authoritative reference and input builder live on the scoring server;
editing this copy changes nothing except your own understanding.
"""

import jax, jax.numpy as jnp
import numpy as np

NUM_NODES = 100000
EMBED = 64
REL_SIZE = 8
BATCH = 16384

def setup_inputs(seed: int = 0) -> dict:
    key = jax.random.key(seed)
    k1, k2, k3, k4, k5 = jax.random.split(key, 5)
    node_idx = jax.random.randint(k1, (BATCH,), 0, NUM_NODES, dtype=jnp.int64 if jax.config.jax_enable_x64 else jnp.int32)
    relation_idx = jax.random.randint(k2, (BATCH,), 0, REL_SIZE, dtype=jnp.int64 if jax.config.jax_enable_x64 else jnp.int32)
    node_neighbor_idx = jax.random.randint(k3, (BATCH,), 0, NUM_NODES, dtype=jnp.int64 if jax.config.jax_enable_x64 else jnp.int32)
    # learned parameters
    node_embed_table = jax.random.normal(k4, (NUM_NODES, EMBED), dtype=jnp.float32)
    # xavier_uniform for relation embed: fan_in = REL_SIZE, fan_out = EMBED*EMBED
    limit = float(np.sqrt(6.0 / (REL_SIZE + EMBED * EMBED)))
    relation_embed_table = jax.random.uniform(k5, (REL_SIZE, EMBED * EMBED), minval=-limit, maxval=limit, dtype=jnp.float32)
    return {
        "node_idx": node_idx,
        "relation_idx": relation_idx,
        "node_neighbor_idx": node_neighbor_idx,
        "node_embed_table": node_embed_table,
        "relation_embed_table": relation_embed_table,
    }

def reference(node_idx, relation_idx, node_neighbor_idx, node_embed_table, relation_embed_table):
    # node_embed lookup -> [B, 1, E]
    node_embed = jnp.take(node_embed_table, node_idx, axis=0)
    node_embed = node_embed.reshape((-1, 1, EMBED))
    # relation embed lookup -> [B, E, E]
    relation_embed = jnp.take(relation_embed_table, relation_idx, axis=0)
    relation_embed = relation_embed.reshape((-1, EMBED, EMBED))
    # temp = node_embed @ relation_embed  -> [B, 1, E]
    temp = jnp.matmul(node_embed, relation_embed)
    # neighbor embed lookup -> [B, 1, E]
    neighbor_embed = jnp.take(node_embed_table, node_neighbor_idx, axis=0)
    neighbor_embed = neighbor_embed.reshape((-1, 1, EMBED))
    # score = sum(temp * neighbor, axis=2) -> [B, 1]
    score = jnp.sum(temp * neighbor_embed, axis=2)
    prob = jax.nn.sigmoid(score)
    return prob

if __name__ == "__main__":
    import jax
    _d = setup_inputs()
    print(jax.jit(kernel)(*tuple(_d.values())))

</pallas_src>

<mosaic_0001>
#map = affine_map<(d0, d1) -> (0, 0)>
#map1 = affine_map<(d0, d1) -> (0)>
module attributes {stable_mosaic.version = 14 : i64} {
  func.func @gather(%arg0: i32, %arg1: i32, %arg2: memref<100000x64xf32, #tpu.memory_space<hbm>>, %arg3: memref<16384xi32, #tpu.memory_space<hbm>>, %arg4: memref<16384xi32, #tpu.memory_space<hbm>>, %arg5: memref<16384xi32, #tpu.memory_space<hbm>>, %arg6: memref<16384x128xf32, #tpu.memory_space<hbm>>, %arg7: memref<16384x128xf32, #tpu.memory_space<hbm>>, %arg8: memref<512xi32, #tpu.memory_space<vmem>>, %arg9: memref<512xi32, #tpu.memory_space<vmem>>, %arg10: memref<512xi32, #tpu.memory_space<vmem>>, %arg11: memref<512x64xf32, #tpu.memory_space<vmem>>, %arg12: memref<512x64xf32, #tpu.memory_space<vmem>>, %arg13: memref<512x16xf32, #tpu.memory_space<vmem>>, %arg14: memref<!tpu.dma_semaphore, #tpu.memory_space<semaphore_mem>>) attributes {dimension_semantics = [#tpu.dimension_semantics<core_parallel>, #tpu.dimension_semantics<subcore_parallel>], iteration_bounds = array<i64: 2, 16>, scalar_prefetch = 0 : i64, scratch_operands = 7 : i64, tpu.core_type = #tpu.core_type<sc_vector_subcore>, window_params = [{transform_indices = #map}, {transform_indices = #map1}, {transform_indices = #map1}, {transform_indices = #map1}, {transform_indices = #map}, {transform_indices = #map}]} {
    %mul3A = arith.constant 2 : i32
    %mul3A_0 = arith.muli %arg1, %mul3A : i32
    %add3A = arith.addi %mul3A_0, %arg0 : i32
    %mul3A_1 = arith.constant 512 : i32
    %mul3A_2 = arith.muli %add3A, %mul3A_1 : i32
    "tpu.region"() ({
      %run_scoped3A = tpu.sem_alloc : memref<!tpu.dma_semaphore, #tpu.memory_space<semaphore_mem>>
      %dma_start3A_141 = tpu.memref_slice %arg3[%mul3A_2] : memref<16384xi32, #tpu.memory_space<hbm>> -> memref<512xi32, #tpu.memory_space<hbm>>
      %dma_start3A_142 = tpu.memref_slice %arg3[%mul3A_2] : memref<16384xi32, #tpu.memory_space<hbm>> -> memref<512xi32, #tpu.memory_space<hbm>>
      tpu.enqueue_dma source(%dma_start3A_142 : memref<512xi32, #tpu.memory_space<hbm>>) target(%arg8 : memref<512xi32, #tpu.memory_space<vmem>>) target_semaphore(%run_scoped3A : memref<!tpu.dma_semaphore, #tpu.memory_space<semaphore_mem>>)
      %dma_wait3A_143 = tpu.memref_slice %arg3[%mul3A_2] : memref<16384xi32, #tpu.memory_space<hbm>> -> memref<512xi32, #tpu.memory_space<hbm>>
      %dma_wait3A_144 = tpu.memref_slice %arg3[%mul3A_2] : memref<16384xi32, #tpu.memory_space<hbm>> -> memref<512xi32, #tpu.memory_space<hbm>>
      tpu.wait_dma2 semaphore(%run_scoped3A : memref<!tpu.dma_semaphore, #tpu.memory_space<semaphore_mem>>) src(%dma_wait3A_144 : memref<512xi32, #tpu.memory_space<hbm>>) dst(%arg8 : memref<512xi32, #tpu.memory_space<vmem>>)
      tpu.yield
    }) : () -> ()
    "tpu.region"() ({
      %run_scoped3A = tpu.sem_alloc : memref<!tpu.dma_semaphore, #tpu.memory_space<semaphore_mem>>
      %dma_start3A_141 = tpu.memref_slice %arg4[%mul3A_2] : memref<16384xi32, #tpu.memory_space<hbm>> -> memref<512xi32, #tpu.memory_space<hbm>>
      %dma_start3A_142 = tpu.memref_slice %arg4[%mul3A_2] : memref<16384xi32, #tpu.memory_space<hbm>> -> memref<512xi32, #tpu.memory_space<hbm>>
      tpu.enqueue_dma source(%dma_start3A_142 : memref<512xi32, #tpu.memory_space<hbm>>) target(%arg9 : memref<512xi32, #tpu.memory_space<vmem>>) target_semaphore(%run_scoped3A : memref<!tpu.dma_semaphore, #tpu.memory_space<semaphore_mem>>)
      %dma_wait3A_143 = tpu.memref_slice %arg4[%mul3A_2] : memref<16384xi32, #tpu.memory_space<hbm>> -> memref<512xi32, #tpu.memory_space<hbm>>
      %dma_wait3A_144 = tpu.memref_slice %arg4[%mul3A_2] : memref<16384xi32, #tpu.memory_space<hbm>> -> memref<512xi32, #tpu.memory_space<hbm>>
      tpu.wait_dma2 semaphore(%run_scoped3A : memref<!tpu.dma_semaphore, #tpu.memory_space<semaphore_mem>>) src(%dma_wait3A_144 : memref<512xi32, #tpu.memory_space<hbm>>) dst(%arg9 : memref<512xi32, #tpu.memory_space<vmem>>)
      tpu.yield
    }) : () -> ()
    "tpu.region"() ({
      %run_scoped3A = tpu.sem_alloc : memref<!tpu.dma_semaphore, #tpu.memory_space<semaphore_mem>>
      %dma_start3A_141 = tpu.memref_slice %arg5[%mul3A_2] : memref<16384xi32, #tpu.memory_space<hbm>> -> memref<512xi32, #tpu.memory_space<hbm>>
      %dma_start3A_142 = tpu.memref_slice %arg5[%mul3A_2] : memref<16384xi32, #tpu.memory_space<hbm>> -> memref<512xi32, #tpu.memory_space<hbm>>
      tpu.enqueue_dma source(%dma_start3A_142 : memref<512xi32, #tpu.memory_space<hbm>>) target(%arg10 : memref<512xi32, #tpu.memory_space<vmem>>) target_semaphore(%run_scoped3A : memref<!tpu.dma_semaphore, #tpu.memory_space<semaphore_mem>>)
      %dma_wait3A_143 = tpu.memref_slice %arg5[%mul3A_2] : memref<16384xi32, #tpu.memory_space<hbm>> -> memref<512xi32, #tpu.memory_space<hbm>>
      %dma_wait3A_144 = tpu.memref_slice %arg5[%mul3A_2] : memref<16384xi32, #tpu.memory_space<hbm>> -> memref<512xi32, #tpu.memory_space<hbm>>
      tpu.wait_dma2 semaphore(%run_scoped3A : memref<!tpu.dma_semaphore, #tpu.memory_space<semaphore_mem>>) src(%dma_wait3A_144 : memref<512xi32, #tpu.memory_space<hbm>>) dst(%arg10 : memref<512xi32, #tpu.memory_space<vmem>>)
      tpu.yield
    }) : () -> ()
    %dma_start3A = arith.constant 0 : i32
    %dma_start3A_3 = arith.constant 0 : i32
    %dma_start3A_4 = tpu.memref_slice %arg11[%dma_start3A, %dma_start3A_3] : memref<512x64xf32, #tpu.memory_space<vmem>> -> memref<128x64xf32, #tpu.memory_space<vmem>>
    %dma_start3A_5 = arith.constant 0 : i32
    %dma_start3A_6 = tpu.memref_slice %arg8[%dma_start3A_5] : memref<512xi32, #tpu.memory_space<vmem>> -> memref<128xi32, #tpu.memory_space<vmem>>
    %dma_start3A_7 = arith.constant 0 : i32
    %dma_start3A_8 = arith.constant 0 : i32
    %dma_start3A_9 = tpu.memref_slice %arg2[%dma_start3A_7, %dma_start3A_8] : memref<100000x64xf32, #tpu.memory_space<hbm>> -> memref<100000x64xf32, #tpu.memory_space<hbm>>
    tpu.enqueue_indirect_dma source(%dma_start3A_9 : memref<100000x64xf32, #tpu.memory_space<hbm>>) target(%dma_start3A_4 : memref<128x64xf32, #tpu.memory_space<vmem>>) offsets(%dma_start3A_6 : memref<128xi32, #tpu.memory_space<vmem>>) semaphore(%arg14 : memref<!tpu.dma_semaphore, #tpu.memory_space<semaphore_mem>>)
    %dma_start3A_10 = arith.constant 0 : i32
    %dma_start3A_11 = arith.constant 0 : i32
    %dma_start3A_12 = tpu.memref_slice %arg12[%dma_start3A_10, %dma_start3A_11] : memref<512x64xf32, #tpu.memory_space<vmem>> -> memref<128x64xf32, #tpu.memory_space<vmem>>
    %dma_start3A_13 = arith.constant 0 : i32
    %dma_start3A_14 = tpu.memref_slice %arg9[%dma_start3A_13] : memref<512xi32, #tpu.memory_space<vmem>> -> memref<128xi32, #tpu.memory_space<vmem>>
    %dma_start3A_15 = arith.constant 0 : i32
    %dma_start3A_16 = arith.constant 0 : i32
    %dma_start3A_17 = tpu.memref_slice %arg2[%dma_start3A_15, %dma_start3A_16] : memref<100000x64xf32, #tpu.memory_space<hbm>> -> memref<100000x64xf32, #tpu.memory_space<hbm>>
    tpu.enqueue_indirect_dma source(%dma_start3A_17 : memref<100000x64xf32, #tpu.memory_space<hbm>>) target(%dma_start3A_12 : memref<128x64xf32, #tpu.memory_space<vmem>>) offsets(%dma_start3A_14 : memref<128xi32, #tpu.memory_space<vmem>>) semaphore(%arg14 : memref<!tpu.dma_semaphore, #tpu.memory_space<semaphore_mem>>)
    %dma_start3A_18 = arith.constant 128 : i32
    %dma_start3A_19 = arith.constant 0 : i32
    %dma_start3A_20 = tpu.memref_slice %arg11[%dma_start3A_18, %dma_start3A_19] : memref<512x64xf32, #tpu.memory_space<vmem>> -> memref<128x64xf32, #tpu.memory_space<vmem>>
    %dma_start3A_21 = arith.constant 128 : i32
    %dma_start3A_22 = tpu.memref_slice %arg8[%dma_start3A_21] : memref<512xi32, #tpu.memory_space<vmem>> -> memref<128xi32, #tpu.memory_space<vmem>>
    %dma_start3A_23 = arith.constant 0 : i32
    %dma_start3A_24 = arith.constant 0 : i32
    %dma_start3A_25 = tpu.memref_slice %arg2[%dma_start3A_23, %dma_start3A_24] : memref<100000x64xf32, #tpu.memory_space<hbm>> -> memref<100000x64xf32, #tpu.memory_space<hbm>>
    tpu.enqueue_indirect_dma source(%dma_start3A_25 : memref<100000x64xf32, #tpu.memory_space<hbm>>) target(%dma_start3A_20 : memref<128x64xf32, #tpu.memory_space<vmem>>) offsets(%dma_start3A_22 : memref<128xi32, #tpu.memory_space<vmem>>) semaphore(%arg14 : memref<!tpu.dma_semaphore, #tpu.memory_space<semaphore_mem>>)
    %dma_start3A_26 = arith.constant 128 : i32
    %dma_start3A_27 = arith.constant 0 : i32
    %dma_start3A_28 = tpu.memref_slice %arg12[%dma_start3A_26, %dma_start3A_27] : memref<512x64xf32, #tpu.memory_space<vmem>> -> memref<128x64xf32, #tpu.memory_space<vmem>>
    %dma_start3A_29 = arith.constant 128 : i32
    %dma_start3A_30 = tpu.memref_slice %arg9[%dma_start3A_29] : memref<512xi32, #tpu.memory_space<vmem>> -> memref<128xi32, #tpu.memory_space<vmem>>
    %dma_start3A_31 = arith.constant 0 : i32
    %dma_start3A_32 = arith.constant 0 : i32
    %dma_start3A_33 = tpu.memref_slice %arg2[%dma_start3A_31, %dma_start3A_32] : memref<100000x64xf32, #tpu.memory_space<hbm>> -> memref<100000x64xf32, #tpu.memory_space<hbm>>
    tpu.enqueue_indirect_dma source(%dma_start3A_33 : memref<100000x64xf32, #tpu.memory_space<hbm>>) target(%dma_start3A_28 : memref<128x64xf32, #tpu.memory_space<vmem>>) offsets(%dma_start3A_30 : memref<128xi32, #tpu.memory_space<vmem>>) semaphore(%arg14 : memref<!tpu.dma_semaphore, #tpu.memory_space<semaphore_mem>>)
    %dma_start3A_34 = arith.constant 256 : i32
    %dma_start3A_35 = arith.constant 0 : i32
    %dma_start3A_36 = tpu.memref_slice %arg11[%dma_start3A_34, %dma_start3A_35] : memref<512x64xf32, #tpu.memory_space<vmem>> -> memref<128x64xf32, #tpu.memory_space<vmem>>
    %dma_start3A_37 = arith.constant 256 : i32
    %dma_start3A_38 = tpu.memref_slice %arg8[%dma_start3A_37] : memref<512xi32, #tpu.memory_space<vmem>> -> memref<128xi32, #tpu.memory_space<vmem>>
    %dma_start3A_39 = arith.constant 0 : i32
    %dma_start3A_40 = arith.constant 0 : i32
    %dma_start3A_41 = tpu.memref_slice %arg2[%dma_start3A_39, %dma_start3A_40] : memref<100000x64xf32, #tpu.memory_space<hbm>> -> memref<100000x64xf32, #tpu.memory_space<hbm>>
    tpu.enqueue_indirect_dma source(%dma_start3A_41 : memref<100000x64xf32, #tpu.memory_space<hbm>>) target(%dma_start3A_36 : memref<128x64xf32, #tpu.memory_space<vmem>>) offsets(%dma_start3A_38 : memref<128xi32, #tpu.memory_space<vmem>>) semaphore(%arg14 : memref<!tpu.dma_semaphore, #tpu.memory_space<semaphore_mem>>)
    %dma_start3A_42 = arith.constant 256 : i32
    %dma_start3A_43 = arith.constant 0 : i32
    %dma_start3A_44 = tpu.memref_slice %arg12[%dma_start3A_42, %dma_start3A_43] : memref<512x64xf32, #tpu.memory_space<vmem>> -> memref<128x64xf32, #tpu.memory_space<vmem>>
    %dma_start3A_45 = arith.constant 256 : i32
    %dma_start3A_46 = tpu.memref_slice %arg9[%dma_start3A_45] : memref<512xi32, #tpu.memory_space<vmem>> -> memref<128xi32, #tpu.memory_space<vmem>>
    %dma_start3A_47 = arith.constant 0 : i32
    %dma_start3A_48 = arith.constant 0 : i32
    %dma_start3A_49 = tpu.memref_slice %arg2[%dma_start3A_47, %dma_start3A_48] : memref<100000x64xf32, #tpu.memory_space<hbm>> -> memref<100000x64xf32, #tpu.memory_space<hbm>>
    tpu.enqueue_indirect_dma source(%dma_start3A_49 : memref<100000x64xf32, #tpu.memory_space<hbm>>) target(%dma_start3A_44 : memref<128x64xf32, #tpu.memory_space<vmem>>) offsets(%dma_start3A_46 : memref<128xi32, #tpu.memory_space<vmem>>) semaphore(%arg14 : memref<!tpu.dma_semaphore, #tpu.memory_space<semaphore_mem>>)
    %dma_start3A_50 = arith.constant 384 : i32
    %dma_start3A_51 = arith.constant 0 : i32
    %dma_start3A_52 = tpu.memref_slice %arg11[%dma_start3A_50, %dma_start3A_51] : memref<512x64xf32, #tpu.memory_space<vmem>> -> memref<128x64xf32, #tpu.memory_space<vmem>>
    %dma_start3A_53 = arith.constant 384 : i32
    %dma_start3A_54 = tpu.memref_slice %arg8[%dma_start3A_53] : memref<512xi32, #tpu.memory_space<vmem>> -> memref<128xi32, #tpu.memory_space<vmem>>
    %dma_start3A_55 = arith.constant 0 : i32
    %dma_start3A_56 = arith.constant 0 : i32
    %dma_start3A_57 = tpu.memref_slice %arg2[%dma_start3A_55, %dma_start3A_56] : memref<100000x64xf32, #tpu.memory_space<hbm>> -> memref<100000x64xf32, #tpu.memory_space<hbm>>
    tpu.enqueue_indirect_dma source(%dma_start3A_57 : memref<100000x64xf32, #tpu.memory_space<hbm>>) target(%dma_start3A_52 : memref<128x64xf32, #tpu.memory_space<vmem>>) offsets(%dma_start3A_54 : memref<128xi32, #tpu.memory_space<vmem>>) semaphore(%arg14 : memref<!tpu.dma_semaphore, #tpu.memory_space<semaphore_mem>>)
    %dma_start3A_58 = arith.constant 384 : i32
    %dma_start3A_59 = arith.constant 0 : i32
    %dma_start3A_60 = tpu.memref_slice %arg12[%dma_start3A_58, %dma_start3A_59] : memref<512x64xf32, #tpu.memory_space<vmem>> -> memref<128x64xf32, #tpu.memory_space<vmem>>
    %dma_start3A_61 = arith.constant 384 : i32
    %dma_start3A_62 = tpu.memref_slice %arg9[%dma_start3A_61] : memref<512xi32, #tpu.memory_space<vmem>> -> memref<128xi32, #tpu.memory_space<vmem>>
    %dma_start3A_63 = arith.constant 0 : i32
    %dma_start3A_64 = arith.constant 0 : i32
    %dma_start3A_65 = tpu.memref_slice %arg2[%dma_start3A_63, %dma_start3A_64] : memref<100000x64xf32, #tpu.memory_space<hbm>> -> memref<100000x64xf32, #tpu.memory_space<hbm>>
    tpu.enqueue_indirect_dma source(%dma_start3A_65 : memref<100000x64xf32, #tpu.memory_space<hbm>>) target(%dma_start3A_60 : memref<128x64xf32, #tpu.memory_space<vmem>>) offsets(%dma_start3A_62 : memref<128xi32, #tpu.memory_space<vmem>>) semaphore(%arg14 : memref<!tpu.dma_semaphore, #tpu.memory_space<semaphore_mem>>)
    %broadcast_in_dim3A = arith.constant 0.000000e+00 : f32
    %broadcast_in_dim3A_66 = vector.broadcast %broadcast_in_dim3A : f32 to vector<16xf32>
    %scan3A = arith.constant 0 : i32
    %scan3A_67 = arith.constant 512 : i32
    %scan3A_68 = arith.addi %scan3A, %scan3A_67 : i32
    %scan3A_69 = arith.constant 1 : i32
    scf.for %scan3A_141 = %scan3A to %scan3A_68 step %scan3A_69  : i32 {
      %swap3A = arith.index_cast %scan3A_141 : i32 to index
      %swap3A_142 = arith.constant 0 : index
      %swap3A_143 = tpu.vector_load %arg13[%swap3A, %swap3A_142] {strides = array<i32>} : memref<512x16xf32, #tpu.memory_space<vmem>>, vector<16xf32>,
      tpu.vector_store %arg13[%swap3A, %swap3A_142], %broadcast_in_dim3A_66 {strides = array<i32>} : memref<512x16xf32, #tpu.memory_space<vmem>>, vector<16xf32>,
    }
    %scan3A_70 = arith.constant 512 : i32
    %broadcast_in_dim3A_71 = arith.constant 1.000000e+00 : f32
    %broadcast_in_dim3A_72 = vector.broadcast %broadcast_in_dim3A_71 : f32 to vector<16xf32>
    %iota3A = tpu.iota {dimensions = array<i32: 0>} : vector<16xi32>
    %scan3A_73 = arith.constant 0 : i32
    %scan3A_74 = arith.constant 32 : i32
    %scan3A_75 = arith.addi %scan3A_73, %scan3A_74 : i32
    %scan3A_76 = arith.constant 1 : i32
    scf.for %scan3A_141 = %scan3A_73 to %scan3A_75 step %scan3A_76  : i32 {
      %mul3A_142 = arith.constant 16 : i32
      %mul3A_143 = arith.muli %scan3A_141, %mul3A_142 : i32
      %add3A_144 = vector.broadcast %mul3A_143 : i32 to vector<16xi32>
      %add3A_145 = arith.addi %iota3A, %add3A_144 : vector<16xi32>
      %mul3A_146 = arith.constant 16 : i32
      %mul3A_147 = arith.muli %scan3A_141, %mul3A_146 : i32
      %get3A = arith.index_cast %mul3A_147 : i32 to index
      %get3A_148 = tpu.vector_load %arg10[%get3A] {strides = array<i32>} : memref<512xi32, #tpu.memory_space<vmem>>, vector<16xi32>,
      tpu.vector_store_idx %arg13[%add3A_145, %get3A_148], %broadcast_in_dim3A_72 : memref<512x16xf32, #tpu.memory_space<vmem>>[vector<16xi32>, vector<16xi32>], vector<16xf32>,
    }
    %scan3A_77 = arith.constant 32 : i32
    %dma_wait3A = arith.constant 0 : i32
    %dma_wait3A_78 = arith.constant 0 : i32
    %dma_wait3A_79 = tpu.memref_slice %arg11[%dma_wait3A, %dma_wait3A_78] : memref<512x64xf32, #tpu.memory_space<vmem>> -> memref<128x64xf32, #tpu.memory_space<vmem>>
    %dma_wait3A_80 = arith.constant 0 : i32
    %dma_wait3A_81 = tpu.memref_slice %arg8[%dma_wait3A_80] : memref<512xi32, #tpu.memory_space<vmem>> -> memref<128xi32, #tpu.memory_space<vmem>>
    %dma_wait3A_82 = arith.constant 0 : i32
    %dma_wait3A_83 = arith.constant 0 : i32
    %dma_wait3A_84 = tpu.memref_slice %arg2[%dma_wait3A_82, %dma_wait3A_83] : memref<100000x64xf32, #tpu.memory_space<hbm>> -> memref<100000x64xf32, #tpu.memory_space<hbm>>
    tpu.wait_indirect_dma semaphore(%arg14 : memref<!tpu.dma_semaphore, #tpu.memory_space<semaphore_mem>>) src(%dma_wait3A_84 : memref<100000x64xf32, #tpu.memory_space<hbm>>) dst(%dma_wait3A_79 : memref<128x64xf32, #tpu.memory_space<vmem>>)
    %dma_wait3A_85 = arith.constant 0 : i32
    %dma_wait3A_86 = arith.constant 0 : i32
    %dma_wait3A_87 = tpu.memref_slice %arg12[%dma_wait3A_85, %dma_wait3A_86] : memref<512x64xf32, #tpu.memory_space<vmem>> -> memref<128x64xf32, #tpu.memory_space<vmem>>
    %dma_wait3A_88 = arith.constant 0 : i32
    %dma_wait3A_89 = tpu.memref_slice %arg9[%dma_wait3A_88] : memref<512xi32, #tpu.memory_space<vmem>> -> memref<128xi32, #tpu.memory_space<vmem>>
    %dma_wait3A_90 = arith.constant 0 : i32
    %dma_wait3A_91 = arith.constant 0 : i32
    %dma_wait3A_92 = tpu.memref_slice %arg2[%dma_wait3A_90, %dma_wait3A_91] : memref<100000x64xf32, #tpu.memory_space<hbm>> -> memref<100000x64xf32, #tpu.memory_space<hbm>>
    tpu.wait_indirect_dma semaphore(%arg14 : memref<!tpu.dma_semaphore, #tpu.memory_space<semaphore_mem>>) src(%dma_wait3A_92 : memref<100000x64xf32, #tpu.memory_space<hbm>>) dst(%dma_wait3A_87 : memref<128x64xf32, #tpu.memory_space<vmem>>)
    %dma_wait3A_93 = arith.constant 128 : i32
    %dma_wait3A_94 = arith.constant 0 : i32
    %dma_wait3A_95 = tpu.memref_slice %arg11[%dma_wait3A_93, %dma_wait3A_94] : memref<512x64xf32, #tpu.memory_space<vmem>> -> memref<128x64xf32, #tpu.memory_space<vmem>>
    %dma_wait3A_96 = arith.constant 128 : i32
    %dma_wait3A_97 = tpu.memref_slice %arg8[%dma_wait3A_96] : memref<512xi32, #tpu.memory_space<vmem>> -> memref<128xi32, #tpu.memory_space<vmem>>
    %dma_wait3A_98 = arith.constant 0 : i32
    %dma_wait3A_99 = arith.constant 0 : i32
    %dma_wait3A_100 = tpu.memref_slice %arg2[%dma_wait3A_98, %dma_wait3A_99] : memref<100000x64xf32, #tpu.memory_space<hbm>> -> memref<100000x64xf32, #tpu.memory_space<hbm>>
    tpu.wait_indirect_dma semaphore(%arg14 : memref<!tpu.dma_semaphore, #tpu.memory_space<semaphore_mem>>) src(%dma_wait3A_100 : memref<100000x64xf32, #tpu.memory_space<hbm>>) dst(%dma_wait3A_95 : memref<128x64xf32, #tpu.memory_space<vmem>>)
    %dma_wait3A_101 = arith.constant 128 : i32
    %dma_wait3A_102 = arith.constant 0 : i32
    %dma_wait3A_103 = tpu.memref_slice %arg12[%dma_wait3A_101, %dma_wait3A_102] : memref<512x64xf32, #tpu.memory_space<vmem>> -> memref<128x64xf32, #tpu.memory_space<vmem>>
    %dma_wait3A_104 = arith.constant 128 : i32
    %dma_wait3A_105 = tpu.memref_slice %arg9[%dma_wait3A_104] : memref<512xi32, #tpu.memory_space<vmem>> -> memref<128xi32, #tpu.memory_space<vmem>>
    %dma_wait3A_106 = arith.constant 0 : i32
    %dma_wait3A_107 = arith.constant 0 : i32
    %dma_wait3A_108 = tpu.memref_slice %arg2[%dma_wait3A_106, %dma_wait3A_107] : memref<100000x64xf32, #tpu.memory_space<hbm>> -> memref<100000x64xf32, #tpu.memory_space<hbm>>
    tpu.wait_indirect_dma semaphore(%arg14 : memref<!tpu.dma_semaphore, #tpu.memory_space<semaphore_mem>>) src(%dma_wait3A_108 : memref<100000x64xf32, #tpu.memory_space<hbm>>) dst(%dma_wait3A_103 : memref<128x64xf32, #tpu.memory_space<vmem>>)
    %dma_wait3A_109 = arith.constant 256 : i32
    %dma_wait3A_110 = arith.constant 0 : i32
    %dma_wait3A_111 = tpu.memref_slice %arg11[%dma_wait3A_109, %dma_wait3A_110] : memref<512x64xf32, #tpu.memory_space<vmem>> -> memref<128x64xf32, #tpu.memory_space<vmem>>
    %dma_wait3A_112 = arith.constant 256 : i32
    %dma_wait3A_113 = tpu.memref_slice %arg8[%dma_wait3A_112] : memref<512xi32, #tpu.memory_space<vmem>> -> memref<128xi32, #tpu.memory_space<vmem>>
    %dma_wait3A_114 = arith.constant 0 : i32
    %dma_wait3A_115 = arith.constant 0 : i32
    %dma_wait3A_116 = tpu.memref_slice %arg2[%dma_wait3A_114, %dma_wait3A_115] : memref<100000x64xf32, #tpu.memory_space<hbm>> -> memref<100000x64xf32, #tpu.memory_space<hbm>>
    tpu.wait_indirect_dma semaphore(%arg14 : memref<!tpu.dma_semaphore, #tpu.memory_space<semaphore_mem>>) src(%dma_wait3A_116 : memref<100000x64xf32, #tpu.memory_space<hbm>>) dst(%dma_wait3A_111 : memref<128x64xf32, #tpu.memory_space<vmem>>)
    %dma_wait3A_117 = arith.constant 256 : i32
    %dma_wait3A_118 = arith.constant 0 : i32
    %dma_wait3A_119 = tpu.memref_slice %arg12[%dma_wait3A_117, %dma_wait3A_118] : memref<512x64xf32, #tpu.memory_space<vmem>> -> memref<128x64xf32, #tpu.memory_space<vmem>>
    %dma_wait3A_120 = arith.constant 256 : i32
    %dma_wait3A_121 = tpu.memref_slice %arg9[%dma_wait3A_120] : memref<512xi32, #tpu.memory_space<vmem>> -> memref<128xi32, #tpu.memory_space<vmem>>
    %dma_wait3A_122 = arith.constant 0 : i32
    %dma_wait3A_123 = arith.constant 0 : i32
    %dma_wait3A_124 = tpu.memref_slice %arg2[%dma_wait3A_122, %dma_wait3A_123] : memref<100000x64xf32, #tpu.memory_space<hbm>> -> memref<100000x64xf32, #tpu.memory_space<hbm>>
    tpu.wait_indirect_dma semaphore(%arg14 : memref<!tpu.dma_semaphore, #tpu.memory_space<semaphore_mem>>) src(%dma_wait3A_124 : memref<100000x64xf32, #tpu.memory_space<hbm>>) dst(%dma_wait3A_119 : memref<128x64xf32, #tpu.memory_space<vmem>>)
    %dma_wait3A_125 = arith.constant 384 : i32
    %dma_wait3A_126 = arith.constant 0 : i32
    %dma_wait3A_127 = tpu.memref_slice %arg11[%dma_wait3A_125, %dma_wait3A_126] : memref<512x64xf32, #tpu.memory_space<vmem>> -> memref<128x64xf32, #tpu.memory_space<vmem>>
    %dma_wait3A_128 = arith.constant 384 : i32
    %dma_wait3A_129 = tpu.memref_slice %arg8[%dma_wait3A_128] : memref<512xi32, #tpu.memory_space<vmem>> -> memref<128xi32, #tpu.memory_space<vmem>>
    %dma_wait3A_130 = arith.constant 0 : i32
    %dma_wait3A_131 = arith.constant 0 : i32
    %dma_wait3A_132 = tpu.memref_slice %arg2[%dma_wait3A_130, %dma_wait3A_131] : memref<100000x64xf32, #tpu.memory_space<hbm>> -> memref<100000x64xf32, #tpu.memory_space<hbm>>
    tpu.wait_indirect_dma semaphore(%arg14 : memref<!tpu.dma_semaphore, #tpu.memory_space<semaphore_mem>>) src(%dma_wait3A_132 : memref<100000x64xf32, #tpu.memory_space<hbm>>) dst(%dma_wait3A_127 : memref<128x64xf32, #tpu.memory_space<vmem>>)
    %dma_wait3A_133 = arith.constant 384 : i32
    %dma_wait3A_134 = arith.constant 0 : i32
    %dma_wait3A_135 = tpu.memref_slice %arg12[%dma_wait3A_133, %dma_wait3A_134] : memref<512x64xf32, #tpu.memory_space<vmem>> -> memref<128x64xf32, #tpu.memory_space<vmem>>
    %dma_wait3A_136 = arith.constant 384 : i32
    %dma_wait3A_137 = tpu.memref_slice %arg9[%dma_wait3A_136] : memref<512xi32, #tpu.memory_space<vmem>> -> memref<128xi32, #tpu.memory_space<vmem>>
    %dma_wait3A_138 = arith.constant 0 : i32
    %dma_wait3A_139 = arith.constant 0 : i32
    %dma_wait3A_140 = tpu.memref_slice %arg2[%dma_wait3A_138, %dma_wait3A_139] : memref<100000x64xf32, #tpu.memory_space<hbm>> -> memref<100000x64xf32, #tpu.memory_space<hbm>>
    tpu.wait_indirect_dma semaphore(%arg14 : memref<!tpu.dma_semaphore, #tpu.memory_space<semaphore_mem>>) src(%dma_wait3A_140 : memref<100000x64xf32, #tpu.memory_space<hbm>>) dst(%dma_wait3A_135 : memref<128x64xf32, #tpu.memory_space<vmem>>)
    "tpu.region"() ({
      %run_scoped3A = tpu.sem_alloc : memref<!tpu.dma_semaphore, #tpu.memory_space<semaphore_mem>>
      %dma_start3A_141 = arith.constant 0 : i32
      %dma_start3A_142 = tpu.memref_slice %arg6[%mul3A_2, %dma_start3A_141] : memref<16384x128xf32, #tpu.memory_space<hbm>> -> memref<512x64xf32, #tpu.memory_space<hbm>>
      %dma_start3A_143 = arith.constant 0 : i32
      %dma_start3A_144 = tpu.memref_slice %arg6[%mul3A_2, %dma_start3A_143] : memref<16384x128xf32, #tpu.memory_space<hbm>> -> memref<512x64xf32, #tpu.memory_space<hbm>>
      tpu.enqueue_dma source(%arg11 : memref<512x64xf32, #tpu.memory_space<vmem>>) target(%dma_start3A_144 : memref<512x64xf32, #tpu.memory_space<hbm>>) target_semaphore(%run_scoped3A : memref<!tpu.dma_semaphore, #tpu.memory_space<semaphore_mem>>)
      %dma_wait3A_145 = arith.constant 0 : i32
      %dma_wait3A_146 = tpu.memref_slice %arg6[%mul3A_2, %dma_wait3A_145] : memref<16384x128xf32, #tpu.memory_space<hbm>> -> memref<512x64xf32, #tpu.memory_space<hbm>>
      %dma_wait3A_147 = arith.constant 0 : i32
      %dma_wait3A_148 = tpu.memref_slice %arg6[%mul3A_2, %dma_wait3A_147] : memref<16384x128xf32, #tpu.memory_space<hbm>> -> memref<512x64xf32, #tpu.memory_space<hbm>>
      tpu.wait_dma2 semaphore(%run_scoped3A : memref<!tpu.dma_semaphore, #tpu.memory_space<semaphore_mem>>) src(%arg11 : memref<512x64xf32, #tpu.memory_space<vmem>>) dst(%dma_wait3A_148 : memref<512x64xf32, #tpu.memory_space<hbm>>)
      tpu.yield
    }) : () -> ()
    "tpu.region"() ({
      %run_scoped3A = tpu.sem_alloc : memref<!tpu.dma_semaphore, #tpu.memory_space<semaphore_mem>>
      %dma_start3A_141 = arith.constant 64 : i32
      %dma_start3A_142 = tpu.memref_slice %arg6[%mul3A_2, %dma_start3A_141] : memref<16384x128xf32, #tpu.memory_space<hbm>> -> memref<512x16xf32, #tpu.memory_space<hbm>>
      %dma_start3A_143 = arith.constant 64 : i32
      %dma_start3A_144 = tpu.memref_slice %arg6[%mul3A_2, %dma_start3A_143] : memref<16384x128xf32, #tpu.memory_space<hbm>> -> memref<512x16xf32, #tpu.memory_space<hbm>>
      tpu.enqueue_dma source(%arg13 : memref<512x16xf32, #tpu.memory_space<vmem>>) target(%dma_start3A_144 : memref<512x16xf32, #tpu.memory_space<hbm>>) target_semaphore(%run_scoped3A : memref<!tpu.dma_semaphore, #tpu.memory_space<semaphore_mem>>)
      %dma_wait3A_145 = arith.constant 64 : i32
      %dma_wait3A_146 = tpu.memref_slice %arg6[%mul3A_2, %dma_wait3A_145] : memref<16384x128xf32, #tpu.memory_space<hbm>> -> memref<512x16xf32, #tpu.memory_space<hbm>>
      %dma_wait3A_147 = arith.constant 64 : i32
      %dma_wait3A_148 = tpu.memref_slice %arg6[%mul3A_2, %dma_wait3A_147] : memref<16384x128xf32, #tpu.memory_space<hbm>> -> memref<512x16xf32, #tpu.memory_space<hbm>>
      tpu.wait_dma2 semaphore(%run_scoped3A : memref<!tpu.dma_semaphore, #tpu.memory_space<semaphore_mem>>) src(%arg13 : memref<512x16xf32, #tpu.memory_space<vmem>>) dst(%dma_wait3A_148 : memref<512x16xf32, #tpu.memory_space<hbm>>)
      tpu.yield
    }) : () -> ()
    "tpu.region"() ({
      %run_scoped3A = tpu.sem_alloc : memref<!tpu.dma_semaphore, #tpu.memory_space<semaphore_mem>>
      %dma_start3A_141 = arith.constant 0 : i32
      %dma_start3A_142 = tpu.memref_slice %arg7[%mul3A_2, %dma_start3A_141] : memref<16384x128xf32, #tpu.memory_space<hbm>> -> memref<512x64xf32, #tpu.memory_space<hbm>>
      %dma_start3A_143 = arith.constant 0 : i32
      %dma_start3A_144 = tpu.memref_slice %arg7[%mul3A_2, %dma_start3A_143] : memref<16384x128xf32, #tpu.memory_space<hbm>> -> memref<512x64xf32, #tpu.memory_space<hbm>>
      tpu.enqueue_dma source(%arg12 : memref<512x64xf32, #tpu.memory_space<vmem>>) target(%dma_start3A_144 : memref<512x64xf32, #tpu.memory_space<hbm>>) target_semaphore(%run_scoped3A : memref<!tpu.dma_semaphore, #tpu.memory_space<semaphore_mem>>)
      %dma_wait3A_145 = arith.constant 0 : i32
      %dma_wait3A_146 = tpu.memref_slice %arg7[%mul3A_2, %dma_wait3A_145] : memref<16384x128xf32, #tpu.memory_space<hbm>> -> memref<512x64xf32, #tpu.memory_space<hbm>>
      %dma_wait3A_147 = arith.constant 0 : i32
      %dma_wait3A_148 = tpu.memref_slice %arg7[%mul3A_2, %dma_wait3A_147] : memref<16384x128xf32, #tpu.memory_space<hbm>> -> memref<512x64xf32, #tpu.memory_space<hbm>>
      tpu.wait_dma2 semaphore(%run_scoped3A : memref<!tpu.dma_semaphore, #tpu.memory_space<semaphore_mem>>) src(%arg12 : memref<512x64xf32, #tpu.memory_space<vmem>>) dst(%dma_wait3A_148 : memref<512x64xf32, #tpu.memory_space<hbm>>)
      tpu.yield
    }) : () -> ()
    return
  }
}

module attributes {stable_mosaic.version = 14 : i64} {
  func.func @_score_body(%arg0: i32, %arg1: memref<4096x128xf32, #tpu.memory_space<vmem>>, %arg2: memref<4096x128xf32, #tpu.memory_space<vmem>>, %arg3: memref<512x64xf32, #tpu.memory_space<vmem>>, %arg4: memref<4096x1xf32, #tpu.memory_space<vmem>>) attributes {dimension_semantics = [#tpu.dimension_semantics<arbitrary>], iteration_bounds = array<i64: 4>, scalar_prefetch = 0 : i64, scratch_operands = 0 : i64, tpu.core_type = #tpu.core_type<tc>, window_params = [{transform_indices = @transform_0, window_bounds = array<i64: 4096, 128>}, {transform_indices = @transform_1, window_bounds = array<i64: 4096, 128>}, {pipeline_mode = #tpu.pipeline_mode<synchronous>, transform_indices = @transform_2, window_bounds = array<i64: 512, 64>}, {transform_indices = @transform_3, window_bounds = array<i64: 4096, 1>}]} {
    %get3A = arith.constant 0 : index
    %get3A_0 = arith.constant 0 : index
    %get3A_1 = vector.load %arg1[%get3A, %get3A_0] : memref<4096x128xf32, #tpu.memory_space<vmem>>, vector<4096x128xf32>
    %slice3A = vector.extract_strided_slice %get3A_1 {offsets = [0, 0], sizes = [4096, 64], strides = [1, 1]} : vector<4096x128xf32> to vector<4096x64xf32>
    %slice3A_2 = vector.extract_strided_slice %get3A_1 {offsets = [0, 64], sizes = [4096, 8], strides = [1, 1]} : vector<4096x128xf32> to vector<4096x8xf32>
    %get3A_3 = arith.constant 0 : index
    %get3A_4 = arith.constant 0 : index
    %get3A_5 = vector.load %arg2[%get3A_3, %get3A_4] : memref<4096x128xf32, #tpu.memory_space<vmem>>, vector<4096x64xf32>
    %get3A_6 = arith.constant 0 : index
    %get3A_7 = arith.constant 0 : index
    %get3A_8 = vector.load %arg3[%get3A_6, %get3A_7] : memref<512x64xf32, #tpu.memory_space<vmem>>, vector<512x64xf32>
    %slice3A_9 = vector.extract_strided_slice %get3A_8 {offsets = [0, 0], sizes = [64, 64], strides = [1, 1]} : vector<512x64xf32> to vector<64x64xf32>
    %slice3A_10 = vector.extract_strided_slice %get3A_8 {offsets = [64, 0], sizes = [64, 64], strides = [1, 1]} : vector<512x64xf32> to vector<64x64xf32>
    %slice3A_11 = vector.extract_strided_slice %get3A_8 {offsets = [128, 0], sizes = [64, 64], strides = [1, 1]} : vector<512x64xf32> to vector<64x64xf32>
    %slice3A_12 = vector.extract_strided_slice %get3A_8 {offsets = [192, 0], sizes = [64, 64], strides = [1, 1]} : vector<512x64xf32> to vector<64x64xf32>
    %slice3A_13 = vector.extract_strided_slice %get3A_8 {offsets = [256, 0], sizes = [64, 64], strides = [1, 1]} : vector<512x64xf32> to vector<64x64xf32>
    %slice3A_14 = vector.extract_strided_slice %get3A_8 {offsets = [320, 0], sizes = [64, 64], strides = [1, 1]} : vector<512x64xf32> to vector<64x64xf32>
    %slice3A_15 = vector.extract_strided_slice %get3A_8 {offsets = [384, 0], sizes = [64, 64], strides = [1, 1]} : vector<512x64xf32> to vector<64x64xf32>
    %slice3A_16 = vector.extract_strided_slice %get3A_8 {offsets = [448, 0], sizes = [64, 64], strides = [1, 1]} : vector<512x64xf32> to vector<64x64xf32>
    %concatenate3A = tpu.concatenate %slice3A_9, %slice3A_10, %slice3A_11, %slice3A_12, %slice3A_13, %slice3A_14, %slice3A_15, %slice3A_16 in 1 : vector<64x64xf32>, vector<64x64xf32>, vector<64x64xf32>, vector<64x64xf32>, vector<64x64xf32>, vector<64x64xf32>, vector<64x64xf32>, vector<64x64xf32> -> vector<64x512xf32>
    %dot_general3A = arith.constant dense<0.000000e+00> : vector<4096x512xf32>
    %dot_general3A_17 = tpu.matmul %slice3A, %concatenate3A, %dot_general3A {dimension_numbers = #tpu.dot_dimension_numbers<[1], [0], [0], [1], [0, 0, 1, 1], [], []>, transpose_lhs_hint = false} : vector<4096x64xf32>, vector<64x512xf32>, vector<4096x512xf32> -> vector<4096x512xf32>
    %iota3A = tpu.iota {dimensions = array<i32: 1>} : vector<64x512xi32>
    %iota3A_18 = tpu.iota {dimensions = array<i32: 0>} : vector<64x512xi32>
    %jit3A = arith.constant 64 : i32
    %eq3A = arith.constant 0 : i32
    %eq3A_19 = arith.cmpi eq, %jit3A, %eq3A : i32
    %jit3A_20 = arith.constant 1 : i32
    %select_n3A = arith.select %eq3A_19, %jit3A_20, %jit3A : i32
    %rem3A = vector.broadcast %select_n3A : i32 to vector<64x512xi32>
    %rem3A_21 = arith.remsi %iota3A, %rem3A : vector<64x512xi32>
    %ne3A = arith.constant 0 : i32
    %ne3A_22 = vector.broadcast %ne3A : i32 to vector<64x512xi32>
    %ne3A_23 = arith.cmpi ne, %rem3A_21, %ne3A_22 : vector<64x512xi32>
    %lt3A = arith.constant 0 : i32
    %lt3A_24 = vector.broadcast %lt3A : i32 to vector<64x512xi32>
    %lt3A_25 = arith.cmpi slt, %rem3A_21, %lt3A_24 : vector<64x512xi32>
    %lt3A_26 = arith.constant 0 : i32
    %lt3A_27 = arith.cmpi slt, %select_n3A, %lt3A_26 : i32
    %ne3A_28 = vector.broadcast %lt3A_27 : i1 to vector<64x512xi1>
    %ne3A_29 = vector.broadcast %ne3A_28 : vector<64x512xi1> to vector<64x512xi1>
    %ne3A_30 = arith.xori %lt3A_25, %ne3A_29 : vector<64x512xi1>
    %and3A = arith.andi %ne3A_30, %ne3A_23 : vector<64x512xi1>
    %add3A = vector.broadcast %select_n3A : i32 to vector<64x512xi32>
    %add3A_31 = arith.addi %rem3A_21, %add3A : vector<64x512xi32>
    %select_n3A_32 = arith.select %and3A, %add3A_31, %rem3A_21 : vector<64x512xi1>, vector<64x512xi32>
    %eq3A_33 = arith.cmpi eq, %select_n3A_32, %iota3A_18 : vector<64x512xi32>
    %convert_element_type3A = arith.extui %eq3A_33 : vector<64x512xi1> to vector<64x512xi32>
    %convert_element_type3A_34 = arith.sitofp %convert_element_type3A : vector<64x512xi32> to vector<64x512xf32>
    %dot_general3A_35 = arith.constant dense<0.000000e+00> : vector<4096x512xf32>
    %dot_general3A_36 = tpu.matmul %get3A_5, %convert_element_type3A_34, %dot_general3A_35 {dimension_numbers = #tpu.dot_dimension_numbers<[1], [0], [0], [1], [0, 0, 1, 1], [], []>, transpose_lhs_hint = false} : vector<4096x64xf32>, vector<64x512xf32>, vector<4096x512xf32> -> vector<4096x512xf32>
    %mul3A = arith.mulf %dot_general3A_17, %dot_general3A_36 : vector<4096x512xf32>
    %iota3A_37 = tpu.iota {dimensions = array<i32: 0>} : vector<512x8xi32>
    %iota3A_38 = tpu.iota {dimensions = array<i32: 1>} : vector<512x8xi32>
    %jit3A_39 = arith.constant 64 : i32
    %div3A = vector.broadcast %jit3A_39 : i32 to vector<512x8xi32>
    %div3A_40 = arith.divsi %iota3A_37, %div3A : vector<512x8xi32>
    %sign3A = arith.constant 0 : i32
    %sign3A_41 = vector.broadcast %sign3A : i32 to vector<512x8xi32>
    %sign3A_42 = arith.cmpi sgt, %iota3A_37, %sign3A_41 : vector<512x8xi32>
    %sign3A_43 = arith.extui %sign3A_42 : vector<512x8xi1> to vector<512x8xi32>
    %sign3A_44 = arith.constant 0 : i32
    %sign3A_45 = vector.broadcast %sign3A_44 : i32 to vector<512x8xi32>
    %sign3A_46 = arith.cmpi slt, %iota3A_37, %sign3A_45 : vector<512x8xi32>
    %sign3A_47 = arith.extui %sign3A_46 : vector<512x8xi1> to vector<512x8xi32>
    %sign3A_48 = arith.subi %sign3A_43, %sign3A_47 : vector<512x8xi32>
    %sign3A_49 = arith.constant 0 : i32
    %sign3A_50 = arith.cmpi sgt, %jit3A_39, %sign3A_49 : i32
    %sign3A_51 = arith.extui %sign3A_50 : i1 to i32
    %sign3A_52 = arith.constant 0 : i32
    %sign3A_53 = arith.cmpi slt, %jit3A_39, %sign3A_52 : i32
    %sign3A_54 = arith.extui %sign3A_53 : i1 to i32
    %sign3A_55 = arith.subi %sign3A_51, %sign3A_54 : i32
    %ne3A_56 = vector.broadcast %sign3A_55 : i32 to vector<512x8xi32>
    %ne3A_57 = arith.cmpi ne, %sign3A_48, %ne3A_56 : vector<512x8xi32>
    %rem3A_58 = vector.broadcast %jit3A_39 : i32 to vector<512x8xi32>
    %rem3A_59 = arith.remsi %iota3A_37, %rem3A_58 : vector<512x8xi32>
    %ne3A_60 = arith.constant 0 : i32
    %ne3A_61 = vector.broadcast %ne3A_60 : i32 to vector<512x8xi32>
    %ne3A_62 = arith.cmpi ne, %rem3A_59, %ne3A_61 : vector<512x8xi32>
    %and3A_63 = arith.andi %ne3A_57, %ne3A_62 : vector<512x8xi1>
    %sub3A = arith.constant 1 : i32
    %sub3A_64 = vector.broadcast %sub3A : i32 to vector<512x8xi32>
    %sub3A_65 = arith.subi %div3A_40, %sub3A_64 : vector<512x8xi32>
    %select_n3A_66 = arith.select %and3A_63, %sub3A_65, %div3A_40 : vector<512x8xi1>, vector<512x8xi32>
    %eq3A_67 = arith.cmpi eq, %select_n3A_66, %iota3A_38 : vector<512x8xi32>
    %convert_element_type3A_68 = arith.extui %eq3A_67 : vector<512x8xi1> to vector<512x8xi32>
    %convert_element_type3A_69 = arith.sitofp %convert_element_type3A_68 : vector<512x8xi32> to vector<512x8xf32>
    %dot_general3A_70 = arith.constant dense<0.000000e+00> : vector<4096x8xf32>
    %dot_general3A_71 = tpu.matmul %mul3A, %convert_element_type3A_69, %dot_general3A_70 {dimension_numbers = #tpu.dot_dimension_numbers<[1], [0], [0], [1], [0, 0, 1, 1], [], []>, transpose_lhs_hint = false} : vector<4096x512xf32>, vector<512x8xf32>, vector<4096x8xf32> -> vector<4096x8xf32>
    %broadcast_in_dim3A = arith.constant 1.000000e+00 : f32
    %broadcast_in_dim3A_72 = vector.broadcast %broadcast_in_dim3A : f32 to vector<8x1xf32>
    %mul3A_73 = arith.mulf %dot_general3A_71, %slice3A_2 : vector<4096x8xf32>
    %dot_general3A_74 = arith.constant dense<0.000000e+00> : vector<4096x1xf32>
    %dot_general3A_75 = tpu.matmul %mul3A_73, %broadcast_in_dim3A_72, %dot_general3A_74 {dimension_numbers = #tpu.dot_dimension_numbers<[1], [0], [0], [1], [0, 0, 1, 1], [], []>, transpose_lhs_hint = false} : vector<4096x8xf32>, vector<8x1xf32>, vector<4096x1xf32> -> vector<4096x1xf32>
    %logistic3A = arith.negf %dot_general3A_75 : vector<4096x1xf32>
    %logistic3A_76 = math.exp %logistic3A : vector<4096x1xf32>
    %logistic3A_77 = arith.constant 1.000000e+00 : f32
    %logistic3A_78 = vector.broadcast %logistic3A_77 : f32 to vector<4096x1xf32>
    %logistic3A_79 = arith.addf %logistic3A_78, %logistic3A_76 : vector<4096x1xf32>
    %logistic3A_80 = arith.divf %logistic3A_78, %logistic3A_79 : vector<4096x1xf32>
    %swap3A = arith.constant 0 : index
    %swap3A_81 = arith.constant 0 : index
    %swap3A_82 = vector.load %arg4[%swap3A, %swap3A_81] : memref<4096x1xf32, #tpu.memory_space<vmem>>, vector<4096x1xf32>
    tpu.vector_store %arg4[%swap3A, %swap3A_81], %logistic3A_80 {strides = array<i32>} : memref<4096x1xf32, #tpu.memory_space<vmem>>, vector<4096x1xf32>,
    return
  }
  func.func @transform_0(%arg0: i32) -> (i32, i32) {
    %c0_i32 = arith.constant 0 : i32
    %c0_i32_0 = arith.constant 0 : i32
    return %arg0, %c0_i32 : i32, i32
  }
  func.func @transform_1(%arg0: i32) -> (i32, i32) {
    %c0_i32 = arith.constant 0 : i32
    %c0_i32_0 = arith.constant 0 : i32
    return %arg0, %c0_i32 : i32, i32
  }
  func.func @transform_2(%arg0: i32) -> (i32, i32) {
    %c0_i32 = arith.constant 0 : i32
    %c0_i32_0 = arith.constant 0 : i32
    %c0_i32_1 = arith.constant 0 : i32
    return %c0_i32, %c0_i32_0 : i32, i32
  }
  func.func @transform_3(%arg0: i32) -> (i32, i32) {
    %c0_i32 = arith.constant 0 : i32
    %c0_i32_0 = arith.constant 0 : i32
    return %arg0, %c0_i32 : i32, i32
  }
}

</mosaic_0001>

<sc_bundles>
// kernel: kernel.4.cloned.1.call-start
scs
__scs_entry_jumppad:
0x0: {  	(pc) =	sbr.rel $0x88, $3  }
0x1: {  	(tag) =	ssettag $0x0;
	lr =	simm.s32 $0x1  }
0x2: {  	[smem:$0x3F9C] =	sst lr;
	_ =	strace $0xD0000000  }
0x3: {  	_ = 	snop  }
0x4: {  	_ = 	snop  }
0x5: {  	_ = 	snop  }
0x6: {  	_ = 	snop  }
0x7: {  	_ = 	snop  }
__scs_overlays_trampoline_lowered:
0x8: {  	[smem:$0x3FAB] =	sst s0  }
0x9: {  	[smem:$0x3FAC] =	sst s1  }
0xa: {  	[smem:$0x3FAD] =	sst s2  }
0xb: {  	[smem:$0x3FAE] =	sst s3  }
0xc: {  	[smem:$0x3FAF] =	sst s4  }
0xd: {  	[smem:$0x3FB0] =	sst s5  }
0xe: {  	[smem:$0x3FB1] =	sst s6  }
0xf: {  	[smem:$0x3FB2] =	sst s7  }
0x10: {  	[smem:$0x3FB3] =	sst s8  }
0x11: {  	[smem:$0x3FB4] =	sst s9;
	s0 =	simm.s32 @!p0 $0x0  }
0x12: {  	s1 =	sld [smem:$0x3F9A];
	s0 =	simm.s32 @p0 $0x1  }
0x13: {  	[smem:$0x3FB5] =	sst s0;
	s0 =	simm.s32 @!p1 $0x0  }
0x14: {  	s2 =	sld [smem:$0x3F99];
	s0 =	simm.s32 @p1 $0x1  }
0x15: {  	[smem:$0x3FB6] =	sst s0;
	s0 =	simm.s32 @!p2 $0x0  }
0x16: {  	s3 =	sld [smem:$0x3FDB];
	s0 =	simm.s32 @p2 $0x1  }
0x17: {  	s4 =	simm.s32 $0x1BF5;
	[smem:$0x3FB8] =	sst s0  }
0x18: {  	s0 =	sld [smem:$0x3F9B];
	_ =	swait.ge [sflag:s4], $0x0  }
0x19: {  	s7 =	sld [smem:$0x3F9C]  }
0x1a: {  	s8 =	sadd.s32 $0xFFFFE003, lr  }
0x1b: {  	s9 =	sadd.s32 $0xFFFFFEF7, lr;
	s5 =	simm.s32 $0xFFFFFFFF;
	p2 =	slt.u32 s8, $0xFFFFF086  }
0x1c: {  	p1 =	slt.u32 s9, $0xF7A;
	s5 =	simm.s32 @!p2 $0x0  }
0x1d: {  	s5 =	simm.s32 @p1 $0x1;
	p0 =	seq.s32 s7, s2  }
0x1e: {  	s7 =	smul.u32 @!p0 $0xF7A, s2;
	p2 =	seq.s32 @!p0 s5, $0x0  }
0x1f: {  	s9 =	smul.u32 $0xF7A, s1;
	s8 =	simm.s32 @!p0 $0x1BF5;
	p2 =	por !p2, p0  }
0x20: {  	[sflag:s8] =	ssyncset.s32 @!p0 $0xFFFFF086;
	s6 =	sadd.s32 @!p0 s3, s7;
	s7 =	simm.s32 @!p0 $0x108  }
0x21: {  	s3 =	sadd.s32 s3, s9;
	s6 =	sadd.s32 @!p0 $0x88, s6;
	s7 =	simm.s32 @p2 $0x1082  }
0x22: {  	[simem:s7], [sflag:s8] =	dma.local @!p0 [hbm:s6], $0xF7A  }
0x23: {  	s9 =	sor.u32 $0xD0000000, s2;
	s6 =	simm.s32 $0x108;
	_ =	swait.ge @!p0 [sflag:s8], $0x0  }
0x24: {  	s3 =	sadd.s32 $0x88, s3;
	s6 =	simm.s32 @!p1 $0x1082;
	[sflag:s4] =	ssyncset.s32 $0xFFFFF086  }
0x25: {  	[simem:s6], [sflag:s4] =	dma.local [hbm:s3], $0xF7A  }
0x26: {  	[smem:$0x3F9C] =	sst s1;
	(tag) =	ssettag s2;
	_ =	strace s9  }
0x27: {  	s1 =	sld [smem:$0x3FAC]  }
0x28: {  	s2 =	sld [smem:$0x3FAD]  }
0x29: {  	s4 =	sld [smem:$0x3FAF]  }
0x2a: {  	p0 =	seq.s32 s5, $0x0;
	s5 =	sld [smem:$0x3FB0]  }
0x2b: {  	s6 =	sld [smem:$0x3FB1]  }
0x2c: {  	s7 =	sld [smem:$0x3FB2]  }
0x2d: {  	s3 =	simm.s32 $0x108;
	s8 =	sld [smem:$0x3FB3]  }
0x2e: {  	s3 =	simm.s32 @!p0 $0x1082;
	s9 =	sld [smem:$0x3FB4]  }
0x2f: {  	lr =	sadd.s32 s0, s3;
	s0 =	sld [smem:$0x3FAB]  }
0x30: {  	s3 =	sld [smem:$0x3FAE]  }
0x31: {  	[smem:$0x3FB7] =	sst s10  }
0x32: {  	s10 =	sld [smem:$0x3FB5];
	_ =	sdelay $0x3  }
0x33: {  	p0 =	seq.s32 s10, $0x1;
	s10 =	sld [smem:$0x3FB7];
	_ =	sdelay $0x3  }
0x34: {  	[smem:$0x3FB7] =	sst s10  }
0x35: {  	s10 =	sld [smem:$0x3FB6];
	_ =	sdelay $0x3  }
0x36: {  	p1 =	seq.s32 s10, $0x1;
	s10 =	sld [smem:$0x3FB7];
	_ =	sdelay $0x3  }
0x37: {  	[smem:$0x3FB7] =	sst s10  }
0x38: {  	s10 =	sld [smem:$0x3FB8]  }
0x39: {  	_ = 	snop;
	(pc) =	sbr.ind lr, $3  }
0x3a: {  	_ = 	snop  }
0x3b: {  	_ = 	snop  }
0x3c: {  	p2 =	seq.s32 s10, $0x1;
	s10 =	sld [smem:$0x3FB7]  }
0x3d: {  	_ =	shalt  }
0x3e: {  	_ =	shalt  }
0x3f: {  	_ =	shalt  }
0x40: {  	_ =	shalt  }
0x41: {  	_ =	shalt  }
0x42: {  	_ =	shalt  }
0x43: {  	_ =	shalt  }
0x44: {  	_ =	shalt  }
0x45: {  	_ =	shalt  }
0x46: {  	_ =	shalt  }
0x47: {  	_ =	shalt  }
0x48: {  	_ =	shalt  }
0x49: {  	_ =	shalt  }
0x4a: {  	_ =	shalt  }
0x4b: {  	_ =	shalt  }
0x4c: {  	_ =	shalt  }
0x4d: {  	_ =	shalt  }
0x4e: {  	_ =	shalt  }
0x4f: {  	_ =	shalt  }
0x50: {  	_ =	shalt  }
0x51: {  	_ =	shalt  }
0x52: {  	_ =	shalt  }
0x53: {  	_ =	shalt  }
0x54: {  	_ =	shalt  }
0x55: {  	_ =	shalt  }
0x56: {  	_ =	shalt  }
0x57: {  	_ =	shalt  }
0x58: {  	_ =	shalt  }
0x59: {  	_ =	shalt  }
0x5a: {  	_ =	shalt  }
0x5b: {  	_ =	shalt  }
0x5c: {  	_ =	shalt  }
0x5d: {  	_ =	shalt  }
0x5e: {  	_ =	shalt  }
0x5f: {  	_ =	shalt  }
0x60: {  	_ =	shalt  }
0x61: {  	_ =	shalt  }
0x62: {  	_ =	shalt  }
0x63: {  	_ =	shalt  }
0x64: {  	_ =	shalt  }
0x65: {  	_ =	shalt  }
0x66: {  	_ =	shalt  }
0x67: {  	_ =	shalt  }
0x68: {  	_ =	shalt  }
0x69: {  	_ =	shalt  }
0x6a: {  	_ =	shalt  }
0x6b: {  	_ =	shalt  }
0x6c: {  	_ =	shalt  }
0x6d: {  	_ =	shalt  }
0x6e: {  	_ =	shalt  }
0x6f: {  	_ =	shalt  }
0x70: {  	_ =	shalt  }
0x71: {  	_ =	shalt  }
0x72: {  	_ =	shalt  }
0x73: {  	_ =	shalt  }
0x74: {  	_ =	shalt  }
0x75: {  	_ =	shalt  }
0x76: {  	_ =	shalt  }
0x77: {  	_ =	shalt  }
0x78: {  	_ =	shalt  }
0x79: {  	_ =	shalt  }
0x7a: {  	_ =	shalt  }
0x7b: {  	_ =	shalt  }
0x7c: {  	_ =	shalt  }
0x7d: {  	_ =	shalt  }
0x7e: {  	_ =	shalt  }
0x7f: {  	_ =	shalt  }
0x80: {  	_ =	shalt  }
0x81: {  	_ =	shalt  }
0x82: {  	_ =	shalt  }
0x83: {  	_ =	shalt  }
0x84: {  	_ =	shalt  }
0x85: {  	_ =	shalt  }
0x86: {  	_ =	shalt  }
0x87: {  	_ =	shalt  }
.Lfunc_end0:
.L_simem_size_0:
called_computation_lowered:
.L_overlay_start_0:
0x88: {  	s2 =	sld [smem:$0x3FD9]  }
0x89: {  	s3 =	sld [smem:$0x3FFE];
	_ =	sdelay $0x1  }
0x8a: {  	s1 =	srdreg.scid  }
0x8b: {  	s0 =	sand.u32 $0x1, s1  }
0x8c: {  	s17 =	sshll.u32 s0, $0xA;
	s2 =	sadd.s32 s3, s2  }
0x8d: {  	s2 =	sadd.s32 s2, s17  }
0x8e: {  	[smem:$0x3FC3] =	sst s2  }
0x8f: {  	_ = 	snop  }
0x90: {  	s2 =	sld [smem:$0x3FC9]  }
0x91: {  	s18 =	sld [smem:$0x3FC8]  }
0x92: {  	s4 =	sld [smem:$0x3FC7];
	(tm) =	ssettm $0x1  }
0x93: {  	s5 =	sld [smem:$0x3FFB];
	_ =	sdelay $0x3  }
0x94: {  	_ =	strace s5  }
0x95: {  	s5 =	sld [smem:$0x3FFC];
	_ =	sdelay $0x3  }
0x96: {  	_ =	strace s5  }
0x97: {  	s5 =	sld [smem:$0x3FFD];
	_ =	sdelay $0x3  }
0x98: {  	_ =	strace s5  }
0x99: {  	_ =	strace $0x8FFFFFFF  }
0x9a: {  	s19 =	sld [smem:$0x3FDB];
	_ =	sdelay $0x1  }
0x9b: {  	s6 =	simm.s32 $_scs_section_size  }
0x9c: {  	s7 =	simm.s32 $_size__tile_overlayer_lowered;
	s8 =	simm.s32 $_tile_overlayer_lowered  }
0x9d: {  	s22 =	simm.s32 $0x1BFF;
	s21 =	sshll.u32 s8, $0x1;
	s5 =	sadd.s32 s6, s19  }
0x9e: {  	s9 =	simm.s32 $0x0;
	s20 =	sshll.u32 s7, $0x1;
	s7 =	sadd.s32 s21, s5  }
0x9f: {  	[timem:s9], [sflag:s22] =	dma.local [hbm:s7], s20  }
0xa0: {  	_ =	swait.ge [sflag:s22], s20  }
0xa1: {  	s6 =	ssub.s32 $0x0, s20;
	[sflag:s22] =	ssyncset.done $0x0  }
0xa2: {  	[sflag:s22] =	ssyncadd.s32 s6;
	_ =	sdelay $0x1  }
0xa3: {  	s23 =	simm.s32 $0x1B8B  }
0xa4: {  	_ =	swait.ge [sflag:s23], $0x1  }
0xa5: {  	[sflag:s23] =	ssyncset.done $0x0  }
0xa6: {  	s25 =	simm.s32 $0x1B8E;
	s24 =	sld [smem:$0x3FFE];
	[sflag:s23] =	ssyncadd.s32 $0xFFFFFFFF  }
0xa7: {  	s26 =	simm.s32 $execute0_lowered;
	[smem:$0x3FD2] =	sst s25  }
0xa8: {  	s7 =	sshll.u32 s26, $0x1;
	_ =	strace $0x80000046;
	[dreg:$0x1] =	wrdreg $0xFFFFFFFF  }
0xa9: {  	s28 =	simm.s32 $_size_execute0_lowered;
	s5 =	sadd.s32 s5, s7;
	[dreg:$0x0] =	wrdreg $0x0  }
0xaa: {  	s7 =	sshll.u32 s28, $0x1;
	[dreg:$0x2] =	wrdreg s5  }
0xab: {  	[dreg:$0x3] =	wrdreg s7  }
0xac: {  	[dreg:$0x4] =	wrdreg $0xC0  }
0xad: {  	_ =	task [dreg:s9], $0x5FFFF  }
0xae: {  	[dreg:$0x1] =	wrdreg $0xFFFFFFFF  }
0xaf: {  	[dreg:$0x0] =	wrdreg $0x60  }
0xb0: {  	[dreg:$0x2] =	wrdreg s24  }
0xb1: {  	[dreg:$0x3] =	wrdreg s2  }
0xb2: {  	[dreg:$0x4] =	wrdreg s4  }
0xb3: {  	[dreg:$0x5] =	wrdreg s18  }
0xb4: {  	[dreg:$0x6] =	wrdreg $0x9  }
0xb5: {  	_ =	task.clear_ibuf [dreg:s9], $0x7FFFF;
	_ =	strace $0x90000046  }
0xb6: {  	s29 =	simm.s32 $0x9;
	_ =	strace $0x80000048  }
0xb7: {  	_ =	swait.ge [sflag:s29], $0x1  }
0xb8: {  	[sflag:s29] =	ssyncadd.s32 $0xFFFFFFFF  }
0xb9: {  	_ =	strace $0x90000048  }
0xba: {  	_ =	sfence  }
0xbb: {  	s30 =	sld [smem:$0x0];
	_ =	sdelay $0x2  }
0xbc: {  	s31 =	sshll.u32 s1, $0xD;
	s1 =	sshrl.u32 s1, $0x2  }
0xbd: {  	s3 =	sand.u32 $0x4000, s31;
	s1 =	sadd.s32 s1, s30  }
0xbe: {  	s0 =	sor.u32 s3, s0;
	s1 =	sshll.u32 s1, $0x11  }
0xbf: {  	s0 =	sor.u32 s1, s0  }
0xc0: {  	s0 =	sadd.s32 $0x8F2B, s0  }
0xc1: {  	[sflag:s0] =	ssyncadd.remote.s32 $0x1  }
0xc2: {  	_ =	sfence.sel $0xFFFF  }
0xc3: {  	[dreg:$0x0] =	wrdreg $0xFFFFFFFF;
	(pc) =	sbr.abs _section_cstart, $3  }
0xc4: {  	[dreg:$0x1] =	wrdreg $0xFFFFFFFF  }
0xc5: {  	_ =	task.clear_ibuf [dreg:s9], $0x2FFFF;
	_ =	strace $0x9FFFFFFF  }
0xc6: {  	(tm) =	ssettm $0x7FFFFFFF  }
0xc7: {  	_ =	shalt  }
tec
execute0_lowered:
.L_overlay_start_1:
0x0: {  	(tag) =	ssettag $0x1  }
0x1: {  	s0 =	rddreg [dreg:$0x0]  }
0x2: {  	s1 =	rddreg [dreg:$0x1]  }
0x3: {  	s5 =	rddreg [dreg:$0x2]  }
0x4: {  	s6 =	rddreg [dreg:$0x3]  }
0x5: {  	s3 =	srdreg.scid;
	s2 =	simm.s32 $0x0;
	s7 =	stileid.u32  }
0x6: {  	s11 =	simm.s32 $0x2;
	s12 =	simm.s32 $0x200;
	s14 =	simm.s32 $0x80  }
0x7: {  	s15 =	simm.s32 $0x600;
	s16 =	simm.s32 $0x8600;
	s19 =	simm.s32 $0xA600  }
0x8: {  	s20 =	simm.s32 $0x100;
	s21 =	simm.s32 $0x4600;
	s22 =	simm.s32 $0x300  }
0x9: {  	s23 =	simm.s32 $0xC600;
	s28 =	simm.s32 $0xE600;
	s29 =	simm.s32 $0x10600  }
0xa: {  	s30 =	simm.s32 $0x1;
	s31 =	simm.s32 $0x40;
	s4 =	sand.u32 $0x1, s3  }
0xb: {  	[smem:$0x7FF] =	sst s2;
	s24 =	sshll.u32 s7, $0xA;
	s3 =	sadd.s32 $0x187600, s0  }
0xc: {  	s25 =	sshll.u32 s4, $0x9;
	_ =	strace $0x80000047;
	s4 =	ssub.s32 $0x2, s4  }
0xd: {  	s7 =	sor.u32 s25, s24;
	s26 =	sshrl.u32 s4, $0x1;
	s24 =	simm.s32 $0x180  }
0xe: {  	s25 =	simm.s32 $0x6600;
	s8 =	sshll.u32 s7, $0x4;
	s7 =	sshrl.u32 s7, $0x3  }
0xf: {  	s10 =	ssub.s32 s4, s26;
	s26 =	simm.s32 $0x380;
	s0 =	sadd.s32 s8, s0  }
0x10: {  	s4 =	sadd.s32 s1, s7;
	s5 =	sadd.s32 s5, s7;
	s6 =	sadd.s32 s6, s7  }
0x11: {  	v1 =	vlaneseq.u32;
	s10 =	smax.u32 s10, $0x1;
	s1 =	simm.s32 $0x0;
	s7 =	sadd.s32 $0xC00, s0  }
0x12: {  	v0 =	vimm.f32 $0.0e+00;
	v2 =	vimm.f32 $1.000000000e+00;
	v1 =	vmul.u32 $0x10, v1;
	s8 =	sadd.s32 $0xC08, s0;
	s9 =	sadd.s32 $0x40C00, s0;
	s0 =	simm.s32 $0x10  }
.LBB2_1:
0x13: {  	[tilespmem:s2], [sflag:$0x2] =	stream.linear.gather [hbm4b:s4+s2], $0x200, $0x38;
	[tilespmem:$0x12600] =	vst v63  }
0x14: {  	_ =	swait.ge [sflag:s11], $0x200  }
0x15: {  	[sflag:s11] =	ssyncset.done $0x0  }
0x16: {  	[sflag:s11] =	ssyncadd.s32 $0xFFFFFE00  }
0x17: {  	[tilespmem:s12], [sflag:$0x2] =	stream.linear.gather [hbm4b:s5+s2], $0x200, $0x38;
	[tilespmem:$0x12600] =	vst v63  }
0x18: {  	_ =	swait.ge [sflag:s11], $0x200  }
0x19: {  	[sflag:s11] =	ssyncset.done $0x0  }
0x1a: {  	s13 =	simm.s32 $0x400;
	[sflag:s11] =	ssyncadd.s32 $0xFFFFFE00  }
0x1b: {  	[tilespmem:s13], [sflag:$0x2] =	stream.linear.gather [hbm4b:s6+s2], $0x200, $0x38;
	[tilespmem:$0x12600] =	vst v63  }
0x1c: {  	_ =	swait.ge [sflag:s11], $0x200  }
0x1d: {  	[sflag:s11] =	ssyncset.done $0x0  }
0x1e: {  	[sflag:s11] =	ssyncadd.s32 $0xFFFFFE00  }
0x1f: {  	[tilespmem:s15], [sflag:$0x1] =	stream.indirect.gather [hbm4b:s3+s14], $0x40, s2, s14, $0xb8;
	[tilespmem:$0x12600] =	vst v63  }
0x20: {  	_ = 	snop  }
0x21: {  	[tilespmem:s16], [sflag:$0x1] =	stream.indirect.gather [hbm4b:s3+s14], $0x40, s12, s14, $0xb8;
	[tilespmem:$0x12600] =	vst v63  }
0x22: {  	s17 =	simm.s32 $0x2600  }
0x23: {  	[tilespmem:s17], [sflag:$0x1] =	stream.indirect.gather [hbm4b:s3+s14], $0x40, s14, s14, $0xb8;
	[tilespmem:$0x12600] =	vst v63  }
0x24: {  	s18 =	simm.s32 $0x280  }
0x25: {  	[tilespmem:s19], [sflag:$0x1] =	stream.indirect.gather [hbm4b:s3+s14], $0x40, s18, s14, $0xb8;
	[tilespmem:$0x12600] =	vst v63  }
0x26: {  	_ = 	snop  }
0x27: {  	[tilespmem:s21], [sflag:$0x1] =	stream.indirect.gather [hbm4b:s3+s14], $0x40, s20, s14, $0xb8;
	[tilespmem:$0x12600] =	vst v63  }
0x28: {  	_ = 	snop  }
0x29: {  	[tilespmem:s23], [sflag:$0x1] =	stream.indirect.gather [hbm4b:s3+s14], $0x40, s22, s14, $0xb8;
	[tilespmem:$0x12600] =	vst v63  }
0x2a: {  	_ = 	snop  }
0x2b: {  	[tilespmem:s25], [sflag:$0x1] =	stream.indirect.gather [hbm4b:s3+s14], $0x40, s24, s14, $0xb8;
	[tilespmem:$0x12600] =	vst v63  }
0x2c: {  	s13 =	simm.s32 $0x0  }
0x2d: {  	[tilespmem:s28], [sflag:$0x1] =	stream.indirect.gather [hbm4b:s3+s14], $0x40, s26, s14, $0xb8;
	[tilespmem:$0x12600] =	vst v63  }
.LBB2_2:
0x2e: {  	p0 =	sne.s32 s13, $0x7FC0  }
.Ltmp0:
0x2f: {  	_ = 	snop;
	(pc) =	sbr.rel @p0 .LBB2_2-.Ltmp0, $3  }
0x30: {  	_ =	sdelay $0x1  }
0x31: {  	s17 =	sshra.s32 s13, $0x2  }
0x32: {  	s13 =	sadd.s32 $0x40, s13;
	[tilespmem:s17+$0x10600] =	vst v0  }
0x33: {  	s13 =	simm.s32 $0x400  }
0x34: {  	s17 =	simm.s32 $0x0;
	s18 =	simm.s32 $0x10;
	v3 =	vld [tilespmem:s13+$0x0]  }
.LBB2_4:
0x35: {  	p0 =	sne.s32 s18, $0x1F0;
	_ =	sdelay $0x1  }
0x36: {  	v4 =	vmov s17;
	s17 =	smov.u32 s18  }
0x37: {  	v4 =	vshll.u32 v4, $0x4  }
0x38: {  	v4 =	vor.u32 v1, v4;
	v5 =	vand.u32 $0xFFFFFFF8, v3  }
0x39: {  	v3 =	vand.u32 $0x7, v3;
	v4 =	vadd.s32 v4, v5  }
0x3a: {  	v3 =	vor.u32 v3, v4;
	_ =	sdelay $0x1  }
.Ltmp1:
0x3b: {  	(pc) =	sbr.rel @p0 .LBB2_4-.Ltmp1, $3  }
0x3c: {  	_ =	sdelay $0x1  }
0x3d: {  	s13 =	sadd.s32 $0x10, s13;
	[tilespmem:v3+s29+$0x0] =	vst.idx.msk $0xffff, v2  }
0x3e: {  	s18 =	sadd.s32 $0x10, s18;
	v3 =	vld [tilespmem:s13+$0x0]  }
0x3f: {  	_ =	sdelay $0x1  }
0x40: {  	v4 =	vmov s17  }
0x41: {  	v4 =	vshll.u32 v4, $0x4  }
0x42: {  	v4 =	vor.u32 v1, v4;
	v5 =	vand.u32 $0xFFFFFFF8, v3  }
0x43: {  	v3 =	vand.u32 $0x7, v3;
	v4 =	vadd.s32 v4, v5  }
0x44: {  	v3 =	vor.u32 v3, v4;
	_ =	sdelay $0x4  }
0x45: {  	[tilespmem:v3+s29+$0x0] =	vst.idx.msk $0xffff, v2  }
0x46: {  	_ =	swait.ge [sflag:s30], $0x2000  }
0x47: {  	[sflag:s30] =	ssyncset.done $0x0  }
0x48: {  	[sflag:s30] =	ssyncadd.s32 $0xFFFFE000  }
0x49: {  	_ =	swait.ge [sflag:s30], $0x2000  }
0x4a: {  	[sflag:s30] =	ssyncset.done $0x0  }
0x4b: {  	[sflag:s30] =	ssyncadd.s32 $0xFFFFE000  }
0x4c: {  	_ =	swait.ge [sflag:s30], $0x2000  }
0x4d: {  	[sflag:s30] =	ssyncset.done $0x0  }
0x4e: {  	[sflag:s30] =	ssyncadd.s32 $0xFFFFE000  }
0x4f: {  	_ =	swait.ge [sflag:s30], $0x2000  }
0x50: {  	[sflag:s30] =	ssyncset.done $0x0  }
0x51: {  	[sflag:s30] =	ssyncadd.s32 $0xFFFFE000  }
0x52: {  	_ =	swait.ge [sflag:s30], $0x2000  }
0x53: {  	[sflag:s30] =	ssyncset.done $0x0  }
0x54: {  	[sflag:s30] =	ssyncadd.s32 $0xFFFFE000  }
0x55: {  	_ =	swait.ge [sflag:s30], $0x2000  }
0x56: {  	[sflag:s30] =	ssyncset.done $0x0  }
0x57: {  	[sflag:s30] =	ssyncadd.s32 $0xFFFFE000  }
0x58: {  	_ =	swait.ge [sflag:s30], $0x2000  }
0x59: {  	[sflag:s30] =	ssyncset.done $0x0  }
0x5a: {  	[sflag:s30] =	ssyncadd.s32 $0xFFFFE000  }
0x5b: {  	_ =	swait.ge [sflag:s30], $0x2000  }
0x5c: {  	[sflag:s30] =	ssyncset.done $0x0  }
0x5d: {  	[sflag:s30] =	ssyncadd.s32 $0xFFFFE000  }
0x5e: {  	[hbm4b:s7+s31] =	stream.strided.scatter [tilespmem:s15], [sflag:$0x2], $0x8000, s14, s31, $0x38;
	[tilespmem:$0x12600] =	vst v63  }
0x5f: {  	_ =	swait.ge [sflag:s11], $0x8000  }
0x60: {  	[sflag:s11] =	ssyncset.done $0x0  }
0x61: {  	[sflag:s11] =	ssyncadd.s32 $0xFFFF8000  }
0x62: {  	[hbm4b:s8+s0] =	stream.strided.scatter [tilespmem:s29], [sflag:$0x2], $0x2000, s14, s0, $0x38;
	[tilespmem:$0x12600] =	vst v63  }
0x63: {  	s1 =	sadd.s32 $0x1, s1;
	_ =	swait.ge [sflag:s11], $0x2000  }
0x64: {  	p0 =	sne.s32 s1, s10;
	[sflag:s11] =	ssyncset.done $0x0  }
.Ltmp2:
0x65: {  	[sflag:s11] =	ssyncadd.s32 $0xFFFFE000;
	(pc) =	sbr.rel @p0 .LBB2_1-.Ltmp2, $4  }
0x66: {  	[hbm4b:s9+s31] =	stream.strided.scatter [tilespmem:s16], [sflag:$0x2], $0x8000, s14, s31, $0x38;
	[tilespmem:$0x12600] =	vst v63  }
0x67: {  	_ =	swait.ge [sflag:s11], $0x8000  }
0x68: {  	[sflag:s11] =	ssyncset.done $0x0  }
0x69: {  	[sflag:s11] =	ssyncadd.s32 $0xFFFF8000  }
0x6a: {  	_ =	sfence.sel $0x180000  }
0x6b: {  	[bflag:$0x0] =	sbarrier.arrive $0xFFFF  }
0x6c: {  	_ =	strace $0x90000047  }
0x6d: {  	s0 =	stileid.u32;
	[bflag:$0x2] =	sbarrier.arrive $0xFFFF  }
0x6e: {  	p0 =	sne.s32 s0, $0x0;
	s0 =	rddreg [dreg:$0x4]  }
0x6f: {  	s0 =	sadd.s32 @!p0 $0x100000, s0  }
0x70: {  	[sflag:s0] =	ssyncadd.tile.s32 @!p0 $0x1;
	_ =	shalt  }
.Lfunc_end2:
_tile_overlayer_lowered:
.L_overlay_start_2:
0x71: {  	(tag) =	ssettag $0x2  }
0x72: {  	s0 =	rddreg [dreg:$0x0];
	s2 =	stileid.u32  }
0x73: {  	s1 =	rddreg [dreg:$0x1];
	p0 =	sne.s32 s2, $0x0  }
0x74: {  	s3 =	rddreg [dreg:$0x2];
	[bflag:$0x3] =	sbarrier.arrive $0xFFFF;
	s2 =	simm.s32 @!p0 $0x1C02  }
0x75: {  	[timem:s3], [sflag:s2] =	dma.local @!p0 [hbm:s0], s1  }
0x76: {  	s0 =	simm.s32 @!p0 $0x2  }
0x77: {  	_ =	swait.ge @!p0 [sflag:s0], s1  }
0x78: {  	s1 =	ssub.s32 @!p0 $0x0, s1;
	[sflag:s0] =	ssyncset.done @!p0 $0x0  }
0x79: {  	[sflag:s0] =	ssyncadd.s32 @!p0 s1  }
0x7a: {  	[bflag:$0x3] =	sbarrier.arrive $0xFFFF  }
0x7b: {  	_ =	shalt  }

</sc_bundles>
